<compile_context>
chip_gen: v7x
topology: tpu7x:2x2x1
jax: 0.10.2.dev20260603
libtpu: 0.0.44.dev20260713+nightly
codegen_flags: <defaults>
</compile_context>

<pallas_src>
import jax
import jax.numpy as jnp
from jax import lax
from jax.experimental import pallas as pl
from jax.experimental.pallas import tpu as pltpu
from jax.experimental.pallas import tpu_sc as plsc

_BLK = 2000


def _sc_gather_call(indexes, labels):
    b = indexes.shape[0]
    info = plsc.get_sparse_core_info()
    nc, ns = info.num_cores, info.num_subcores
    nw = nc * ns
    bpw = b // nw

    def body(idx_hbm, labels_hbm, y_hbm, idx_v, y_v, sem):
        wid = lax.axis_index("s") * nc + lax.axis_index("c")
        base = wid * bpw
        pltpu.sync_copy(idx_hbm.at[pl.ds(base, bpw)], idx_v)
        pltpu.async_copy(labels_hbm.at[idx_v], y_v, sem).wait()
        pltpu.sync_copy(y_v, y_hbm.at[pl.ds(base, bpw)])

    mesh = plsc.VectorSubcoreMesh(core_axis_name="c", subcore_axis_name="s")
    return pl.kernel(
        body,
        out_type=jax.ShapeDtypeStruct((b,), jnp.int32),
        mesh=mesh,
        scratch_types=(
            pltpu.VMEM((bpw,), jnp.int32),
            pltpu.VMEM((bpw,), jnp.int32),
            pltpu.SemaphoreType.DMA,
        ),
    )(indexes, labels)


def _tc_loss_call(xt, labels_col, y_row, idx_row):
    n, b = xt.shape
    nsteps = n // _BLK

    def body(xt_ref, lab_ref, y_ref, idx_ref, out_ref, accp, accz):
        k = pl.program_id(0)

        @pl.when(k == 0)
        def _init():
            accp[...] = jnp.zeros_like(accp)
            accz[...] = jnp.zeros_like(accz)

        e = jnp.exp(xt_ref[...])
        rows = lax.broadcasted_iota(jnp.int32, (_BLK, 1), 0) + k * _BLK
        e = jnp.where(rows != idx_ref[...], e, 0.0)
        same = lab_ref[...] == y_ref[...]
        accp[...] += jnp.sum(jnp.where(same, e, 0.0), axis=0, keepdims=True)
        accz[...] += jnp.sum(e, axis=0, keepdims=True)

        @pl.when(k == nsteps - 1)
        def _fini():
            p = accp[...]
            z = accz[...]
            prob = p / z
            ok = prob != 0.0
            lg = jnp.where(ok, jnp.log(jnp.where(ok, prob, 1.0)), 0.0)
            out_ref[0, 0] = -jnp.sum(lg) / b

    return pl.pallas_call(
        body,
        grid=(nsteps,),
        in_specs=[
            pl.BlockSpec((_BLK, b), lambda k: (k, 0)),
            pl.BlockSpec((_BLK, 1), lambda k: (k, 0)),
            pl.BlockSpec((1, b), lambda k: (0, 0)),
            pl.BlockSpec((1, b), lambda k: (0, 0)),
        ],
        out_specs=pl.BlockSpec(memory_space=pltpu.SMEM),
        out_shape=jax.ShapeDtypeStruct((1, 1), jnp.float32),
        scratch_shapes=[
            pltpu.VMEM((1, b), jnp.float32),
            pltpu.VMEM((1, b), jnp.float32),
        ],
    )(xt, labels_col, y_row, idx_row)


def kernel(x, indexes, labels):
    b, n = x.shape
    y = _sc_gather_call(indexes, labels)
    loss = _tc_loss_call(
        jnp.swapaxes(x, 0, 1),
        labels.reshape(n, 1),
        y.reshape(1, b),
        indexes.reshape(1, b),
    )
    return jnp.reshape(loss, ())

# --- scband reference (transcript-rebuilt; emitter-appended) ---
"""Pipeline reference for scband-ncacross-entropy-36739150250640 (READ-ONLY COPY).

The authoritative reference and input builder live on the scoring server;
editing this copy changes nothing except your own understanding.
"""

import jax, jax.numpy as jnp
import numpy as np
import math

B = 1024
N = 100000
C = 1000
MARGIN = 0.0


def setup_inputs(seed: int = 0) -> dict:
    key = jax.random.key(seed)
    k1, k2, k3 = jax.random.split(key, 3)
    x = jax.random.normal(k1, (B, N), dtype=jnp.float32)
    indexes = jax.random.randint(k2, (B,), 0, N, dtype=jnp.int32)
    labels = jax.random.randint(k3, (N,), 0, C, dtype=jnp.int32)
    return {"x": x, "indexes": indexes, "labels": labels}


def reference(x, indexes, labels):
    batchSize, n = x.shape
    expx = jnp.exp(x)
    # y = labels[indexes] -> [B, 1]
    y = jnp.take(labels, indexes, axis=0).reshape(batchSize, 1)
    # same[i, j] = (labels[indexes[i]] == labels[j])
    same = (y == labels[None, :])
    # zero out the self column: exp.scatter_(1, indexes.view(-1,1), 0)
    expx = expx.at[jnp.arange(batchSize), indexes].set(0.0)
    p = jnp.sum(expx * same.astype(jnp.float32), axis=1)
    Z = jnp.sum(expx, axis=1)
    Z_exclude = Z - p
    p = p / math.exp(MARGIN)
    Z = Z_exclude + p
    prob = p / Z
    # masked_select(prob, prob != 0).log().sum()
    mask = prob != 0
    safe_prob = jnp.where(mask, prob, 1.0)
    loss = jnp.sum(jnp.where(mask, jnp.log(safe_prob), 0.0))
    return -loss / batchSize

if __name__ == "__main__":
    import jax
    _d = setup_inputs()
    print(jax.jit(kernel)(*tuple(_d.values())))

</pallas_src>

<mosaic_0001>
#map = affine_map<(d0, d1) -> (0)>
module attributes {stable_mosaic.version = 14 : i64} {
  func.func @body(%arg0: i32, %arg1: i32, %arg2: memref<1024xi32, #tpu.memory_space<hbm>>, %arg3: memref<100000xi32, #tpu.memory_space<hbm>>, %arg4: memref<1024xi32, #tpu.memory_space<hbm>>, %arg5: memref<32xi32, #tpu.memory_space<vmem>>, %arg6: memref<32xi32, #tpu.memory_space<vmem>>, %arg7: memref<!tpu.dma_semaphore, #tpu.memory_space<semaphore_mem>>) attributes {dimension_semantics = [#tpu.dimension_semantics<core_parallel>, #tpu.dimension_semantics<subcore_parallel>], iteration_bounds = array<i64: 2, 16>, scalar_prefetch = 0 : i64, scratch_operands = 3 : i64, tpu.core_type = #tpu.core_type<sc_vector_subcore>, window_params = [{transform_indices = #map}, {transform_indices = #map}, {transform_indices = #map}]} {
    %mul3A = arith.constant 2 : i32
    %mul3A_0 = arith.muli %arg1, %mul3A : i32
    %add3A = arith.addi %mul3A_0, %arg0 : i32
    %mul3A_1 = arith.constant 32 : i32
    %mul3A_2 = arith.muli %add3A, %mul3A_1 : i32
    "tpu.region"() ({
      %run_scoped3A = tpu.sem_alloc : memref<!tpu.dma_semaphore, #tpu.memory_space<semaphore_mem>>
      %dma_start3A_5 = tpu.memref_slice %arg2[%mul3A_2] : memref<1024xi32, #tpu.memory_space<hbm>> -> memref<32xi32, #tpu.memory_space<hbm>>
      %dma_start3A_6 = tpu.memref_slice %arg2[%mul3A_2] : memref<1024xi32, #tpu.memory_space<hbm>> -> memref<32xi32, #tpu.memory_space<hbm>>
      tpu.enqueue_dma source(%dma_start3A_6 : memref<32xi32, #tpu.memory_space<hbm>>) target(%arg5 : memref<32xi32, #tpu.memory_space<vmem>>) target_semaphore(%run_scoped3A : memref<!tpu.dma_semaphore, #tpu.memory_space<semaphore_mem>>)
      %dma_wait3A_7 = tpu.memref_slice %arg2[%mul3A_2] : memref<1024xi32, #tpu.memory_space<hbm>> -> memref<32xi32, #tpu.memory_space<hbm>>
      %dma_wait3A_8 = tpu.memref_slice %arg2[%mul3A_2] : memref<1024xi32, #tpu.memory_space<hbm>> -> memref<32xi32, #tpu.memory_space<hbm>>
      tpu.wait_dma2 semaphore(%run_scoped3A : memref<!tpu.dma_semaphore, #tpu.memory_space<semaphore_mem>>) src(%dma_wait3A_8 : memref<32xi32, #tpu.memory_space<hbm>>) dst(%arg5 : memref<32xi32, #tpu.memory_space<vmem>>)
      tpu.yield
    }) : () -> ()
    %dma_start3A = arith.constant 0 : i32
    %dma_start3A_3 = tpu.memref_slice %arg3[%dma_start3A] : memref<100000xi32, #tpu.memory_space<hbm>> -> memref<100000xi32, #tpu.memory_space<hbm>>
    tpu.enqueue_indirect_dma source(%dma_start3A_3 : memref<100000xi32, #tpu.memory_space<hbm>>) target(%arg6 : memref<32xi32, #tpu.memory_space<vmem>>) offsets(%arg5 : memref<32xi32, #tpu.memory_space<vmem>>) semaphore(%arg7 : memref<!tpu.dma_semaphore, #tpu.memory_space<semaphore_mem>>)
    %dma_wait3A = arith.constant 0 : i32
    %dma_wait3A_4 = tpu.memref_slice %arg3[%dma_wait3A] : memref<100000xi32, #tpu.memory_space<hbm>> -> memref<100000xi32, #tpu.memory_space<hbm>>
    tpu.wait_indirect_dma semaphore(%arg7 : memref<!tpu.dma_semaphore, #tpu.memory_space<semaphore_mem>>) src(%dma_wait3A_4 : memref<100000xi32, #tpu.memory_space<hbm>>) dst(%arg6 : memref<32xi32, #tpu.memory_space<vmem>>)
    "tpu.region"() ({
      %run_scoped3A = tpu.sem_alloc : memref<!tpu.dma_semaphore, #tpu.memory_space<semaphore_mem>>
      %dma_start3A_5 = tpu.memref_slice %arg4[%mul3A_2] : memref<1024xi32, #tpu.memory_space<hbm>> -> memref<32xi32, #tpu.memory_space<hbm>>
      %dma_start3A_6 = tpu.memref_slice %arg4[%mul3A_2] : memref<1024xi32, #tpu.memory_space<hbm>> -> memref<32xi32, #tpu.memory_space<hbm>>
      tpu.enqueue_dma source(%arg6 : memref<32xi32, #tpu.memory_space<vmem>>) target(%dma_start3A_6 : memref<32xi32, #tpu.memory_space<hbm>>) target_semaphore(%run_scoped3A : memref<!tpu.dma_semaphore, #tpu.memory_space<semaphore_mem>>)
      %dma_wait3A_7 = tpu.memref_slice %arg4[%mul3A_2] : memref<1024xi32, #tpu.memory_space<hbm>> -> memref<32xi32, #tpu.memory_space<hbm>>
      %dma_wait3A_8 = tpu.memref_slice %arg4[%mul3A_2] : memref<1024xi32, #tpu.memory_space<hbm>> -> memref<32xi32, #tpu.memory_space<hbm>>
      tpu.wait_dma2 semaphore(%run_scoped3A : memref<!tpu.dma_semaphore, #tpu.memory_space<semaphore_mem>>) src(%arg6 : memref<32xi32, #tpu.memory_space<vmem>>) dst(%dma_wait3A_8 : memref<32xi32, #tpu.memory_space<hbm>>)
      tpu.yield
    }) : () -> ()
    return
  }
}

module attributes {stable_mosaic.version = 14 : i64} {
  func.func @body(%arg0: i32, %arg1: memref<2000x1024xf32, #tpu.memory_space<vmem>>, %arg2: memref<2000x1xi32, #tpu.memory_space<vmem>>, %arg3: memref<1x1024xi32, #tpu.memory_space<vmem>>, %arg4: memref<1x1024xi32, #tpu.memory_space<vmem>>, %arg5: memref<1x1xf32, #tpu.memory_space<smem>>, %arg6: memref<1x1024xf32, #tpu.memory_space<vmem>>, %arg7: memref<1x1024xf32, #tpu.memory_space<vmem>>) attributes {dimension_semantics = [#tpu.dimension_semantics<arbitrary>], iteration_bounds = array<i64: 50>, scalar_prefetch = 0 : i64, scratch_operands = 2 : i64, tpu.core_type = #tpu.core_type<tc>, window_params = [{transform_indices = @transform_0, window_bounds = array<i64: 2000, 1024>}, {transform_indices = @transform_1, window_bounds = array<i64: 2000, 1>}, {pipeline_mode = #tpu.pipeline_mode<synchronous>, transform_indices = @transform_2, window_bounds = array<i64: 1, 1024>}, {pipeline_mode = #tpu.pipeline_mode<synchronous>, transform_indices = @transform_3, window_bounds = array<i64: 1, 1024>}, {transform_indices = @transform_4, window_bounds = array<i64: 1, 1>}]} {
    %eq3A = arith.constant 0 : i32
    %eq3A_0 = arith.cmpi eq, %arg0, %eq3A : i32
    %convert_element_type3A = arith.extui %eq3A_0 : i1 to i32
    %cond3A = arith.constant 0 : i32
    %cond3A_1 = arith.cmpi ne, %convert_element_type3A, %cond3A : i32
    scf.if %cond3A_1 {
      %broadcast_in_dim3A_46 = arith.constant 0.000000e+00 : f32
      %broadcast_in_dim3A_47 = vector.broadcast %broadcast_in_dim3A_46 : f32 to vector<1x1024xf32>
      %swap3A_48 = arith.constant 0 : index
      %swap3A_49 = arith.constant 0 : index
      %swap3A_50 = vector.load %arg6[%swap3A_48, %swap3A_49] : memref<1x1024xf32, #tpu.memory_space<vmem>>, vector<1x1024xf32>
      tpu.vector_store %arg6[%swap3A_48, %swap3A_49], %broadcast_in_dim3A_47 {strides = array<i32>} : memref<1x1024xf32, #tpu.memory_space<vmem>>, vector<1x1024xf32>,
      %broadcast_in_dim3A_51 = arith.constant 0.000000e+00 : f32
      %broadcast_in_dim3A_52 = vector.broadcast %broadcast_in_dim3A_51 : f32 to vector<1x1024xf32>
      %swap3A_53 = arith.constant 0 : index
      %swap3A_54 = arith.constant 0 : index
      %swap3A_55 = vector.load %arg7[%swap3A_53, %swap3A_54] : memref<1x1024xf32, #tpu.memory_space<vmem>>, vector<1x1024xf32>
      tpu.vector_store %arg7[%swap3A_53, %swap3A_54], %broadcast_in_dim3A_52 {strides = array<i32>} : memref<1x1024xf32, #tpu.memory_space<vmem>>, vector<1x1024xf32>,
    } else {
    }
    %get3A = arith.constant 0 : index
    %get3A_2 = arith.constant 0 : index
    %get3A_3 = vector.load %arg1[%get3A, %get3A_2] : memref<2000x1024xf32, #tpu.memory_space<vmem>>, vector<2000x1024xf32>
    %exp3A = math.exp %get3A_3 : vector<2000x1024xf32>
    %iota3A = tpu.iota {dimensions = array<i32: 0>} : vector<2000x1xi32>
    %mul3A = arith.constant 2000 : i32
    %mul3A_4 = arith.muli %arg0, %mul3A : i32
    %add3A = vector.broadcast %mul3A_4 : i32 to vector<2000x1xi32>
    %add3A_5 = arith.addi %iota3A, %add3A : vector<2000x1xi32>
    %get3A_6 = arith.constant 0 : index
    %get3A_7 = arith.constant 0 : index
    %get3A_8 = vector.load %arg4[%get3A_6, %get3A_7] : memref<1x1024xi32, #tpu.memory_space<vmem>>, vector<1x1024xi32>
    %ne3A = vector.broadcast %add3A_5 : vector<2000x1xi32> to vector<2000x1024xi32>
    %ne3A_9 = vector.broadcast %get3A_8 : vector<1x1024xi32> to vector<2000x1024xi32>
    %ne3A_10 = arith.cmpi ne, %ne3A, %ne3A_9 : vector<2000x1024xi32>
    %jit3A = arith.constant 0.000000e+00 : f32
    %broadcast_in_dim3A = vector.broadcast %jit3A : f32 to vector<2000x1024xf32>
    %select_n3A = arith.select %ne3A_10, %exp3A, %broadcast_in_dim3A : vector<2000x1024xi1>, vector<2000x1024xf32>
    %get3A_11 = arith.constant 0 : index
    %get3A_12 = arith.constant 0 : index
    %get3A_13 = vector.load %arg2[%get3A_11, %get3A_12] : memref<2000x1xi32, #tpu.memory_space<vmem>>, vector<2000x1xi32>
    %get3A_14 = arith.constant 0 : index
    %get3A_15 = arith.constant 0 : index
    %get3A_16 = vector.load %arg3[%get3A_14, %get3A_15] : memref<1x1024xi32, #tpu.memory_space<vmem>>, vector<1x1024xi32>
    %eq3A_17 = vector.broadcast %get3A_13 : vector<2000x1xi32> to vector<2000x1024xi32>
    %eq3A_18 = vector.broadcast %get3A_16 : vector<1x1024xi32> to vector<2000x1024xi32>
    %eq3A_19 = arith.cmpi eq, %eq3A_17, %eq3A_18 : vector<2000x1024xi32>
    %get3A_20 = arith.constant 0 : index
    %get3A_21 = arith.constant 0 : index
    %get3A_22 = vector.load %arg6[%get3A_20, %get3A_21] : memref<1x1024xf32, #tpu.memory_space<vmem>>, vector<1x1024xf32>
    %jit3A_23 = arith.constant 0.000000e+00 : f32
    %broadcast_in_dim3A_24 = vector.broadcast %jit3A_23 : f32 to vector<2000x1024xf32>
    %select_n3A_25 = arith.select %eq3A_19, %select_n3A, %broadcast_in_dim3A_24 : vector<2000x1024xi1>, vector<2000x1024xf32>
    %reduce_sum3A = arith.constant dense<0.000000e+00> : vector<1024xf32>
    %reduce_sum3A_26 = vector.multi_reduction <add>, %select_n3A_25, %reduce_sum3A [0] : vector<2000x1024xf32> to vector<1024xf32>
    %broadcast_in_dim3A_27 = vector.shape_cast %reduce_sum3A_26 : vector<1024xf32> to vector<1x1024xf32>
    %add3A_28 = arith.addf %get3A_22, %broadcast_in_dim3A_27 : vector<1x1024xf32>
    %swap3A = arith.constant 0 : index
    %swap3A_29 = arith.constant 0 : index
    %swap3A_30 = vector.load %arg6[%swap3A, %swap3A_29] : memref<1x1024xf32, #tpu.memory_space<vmem>>, vector<1x1024xf32>
    tpu.vector_store %arg6[%swap3A, %swap3A_29], %add3A_28 {strides = array<i32>} : memref<1x1024xf32, #tpu.memory_space<vmem>>, vector<1x1024xf32>,
    %get3A_31 = arith.constant 0 : index
    %get3A_32 = arith.constant 0 : index
    %get3A_33 = vector.load %arg7[%get3A_31, %get3A_32] : memref<1x1024xf32, #tpu.memory_space<vmem>>, vector<1x1024xf32>
    %reduce_sum3A_34 = arith.constant dense<0.000000e+00> : vector<1024xf32>
    %reduce_sum3A_35 = vector.multi_reduction <add>, %select_n3A, %reduce_sum3A_34 [0] : vector<2000x1024xf32> to vector<1024xf32>
    %broadcast_in_dim3A_36 = vector.shape_cast %reduce_sum3A_35 : vector<1024xf32> to vector<1x1024xf32>
    %add3A_37 = arith.addf %get3A_33, %broadcast_in_dim3A_36 : vector<1x1024xf32>
    %swap3A_38 = arith.constant 0 : index
    %swap3A_39 = arith.constant 0 : index
    %swap3A_40 = vector.load %arg7[%swap3A_38, %swap3A_39] : memref<1x1024xf32, #tpu.memory_space<vmem>>, vector<1x1024xf32>
    tpu.vector_store %arg7[%swap3A_38, %swap3A_39], %add3A_37 {strides = array<i32>} : memref<1x1024xf32, #tpu.memory_space<vmem>>, vector<1x1024xf32>,
    %eq3A_41 = arith.constant 49 : i32
    %eq3A_42 = arith.cmpi eq, %arg0, %eq3A_41 : i32
    %convert_element_type3A_43 = arith.extui %eq3A_42 : i1 to i32
    %cond3A_44 = arith.constant 0 : i32
    %cond3A_45 = arith.cmpi ne, %convert_element_type3A_43, %cond3A_44 : i32
    scf.if %cond3A_45 {
      %get3A_46 = arith.constant 0 : index
      %get3A_47 = arith.constant 0 : index
      %get3A_48 = vector.load %arg6[%get3A_46, %get3A_47] : memref<1x1024xf32, #tpu.memory_space<vmem>>, vector<1x1024xf32>
      %get3A_49 = arith.constant 0 : index
      %get3A_50 = arith.constant 0 : index
      %get3A_51 = vector.load %arg7[%get3A_49, %get3A_50] : memref<1x1024xf32, #tpu.memory_space<vmem>>, vector<1x1024xf32>
      %div3A = arith.divf %get3A_48, %get3A_51 : vector<1x1024xf32>
      %ne3A_52 = arith.constant 0.000000e+00 : f32
      %ne3A_53 = vector.broadcast %ne3A_52 : f32 to vector<1x1024xf32>
      %ne3A_54 = arith.cmpf one, %div3A, %ne3A_53 : vector<1x1024xf32>
      %jit3A_55 = arith.constant 1.000000e+00 : f32
      %broadcast_in_dim3A_56 = vector.broadcast %jit3A_55 : f32 to vector<1x1024xf32>
      %select_n3A_57 = arith.select %ne3A_54, %div3A, %broadcast_in_dim3A_56 : vector<1x1024xi1>, vector<1x1024xf32>
      %log3A = math.log %select_n3A_57 : vector<1x1024xf32>
      %jit3A_58 = arith.constant 0.000000e+00 : f32
      %broadcast_in_dim3A_59 = vector.broadcast %jit3A_58 : f32 to vector<1x1024xf32>
      %select_n3A_60 = arith.select %ne3A_54, %log3A, %broadcast_in_dim3A_59 : vector<1x1024xi1>, vector<1x1024xf32>
      %reduce_sum3A_61 = vector.shape_cast %select_n3A_60 : vector<1x1024xf32> to vector<1x1x1024xf32>
      %reduce_sum3A_62 = arith.constant dense<0.000000e+00> : vector<1xf32>
      %reduce_sum3A_63 = vector.multi_reduction <add>, %reduce_sum3A_61, %reduce_sum3A_62 [1, 2] : vector<1x1x1024xf32> to vector<1xf32>
      %reduce_sum3A_64 = vector.shape_cast %reduce_sum3A_63 : vector<1xf32> to vector<1x1x1xf32>
      %reduce_sum3A_65 = vector.extract %reduce_sum3A_64[0, 0, 0] : f32 from vector<1x1x1xf32>
      %neg3A = arith.constant 0.000000e+00 : f32
      %neg3A_66 = arith.subf %neg3A, %reduce_sum3A_65 : f32
      %div3A_67 = arith.constant 1.024000e+03 : f32
      %div3A_68 = arith.divf %neg3A_66, %div3A_67 : f32
      %swap3A_69 = arith.constant 0 : index
      %swap3A_70 = arith.constant 0 : index
      %swap3A_71 = memref.load %arg5[%swap3A_69, %swap3A_70] : memref<1x1xf32, #tpu.memory_space<smem>>
      memref.store %div3A_68, %arg5[%swap3A_69, %swap3A_70] : memref<1x1xf32, #tpu.memory_space<smem>>
    } else {
    }
    return
  }
  func.func @transform_0(%arg0: i32) -> (i32, i32) {
    %c0_i32 = arith.constant 0 : i32
    %c0_i32_0 = arith.constant 0 : i32
    return %arg0, %c0_i32 : i32, i32
  }
  func.func @transform_1(%arg0: i32) -> (i32, i32) {
    %c0_i32 = arith.constant 0 : i32
    %c0_i32_0 = arith.constant 0 : i32
    return %arg0, %c0_i32 : i32, i32
  }
  func.func @transform_2(%arg0: i32) -> (i32, i32) {
    %c0_i32 = arith.constant 0 : i32
    %c0_i32_0 = arith.constant 0 : i32
    %c0_i32_1 = arith.constant 0 : i32
    return %c0_i32, %c0_i32_0 : i32, i32
  }
  func.func @transform_3(%arg0: i32) -> (i32, i32) {
    %c0_i32 = arith.constant 0 : i32
    %c0_i32_0 = arith.constant 0 : i32
    %c0_i32_1 = arith.constant 0 : i32
    return %c0_i32, %c0_i32_0 : i32, i32
  }
  func.func @transform_4(%arg0: i32) -> (i32, i32) {
    %c0_i32 = arith.constant 0 : i32
    %c0_i32_0 = arith.constant 0 : i32
    %c0_i32_1 = arith.constant 0 : i32
    return %c0_i32, %c0_i32_0 : i32, i32
  }
}

</mosaic_0001>

<sc_bundles>
// kernel: kernel.4.cloned.1.call-start
scs
__scs_entry_jumppad:
0x0: {  	(pc) =	sbr.rel $0x88, $3  }
0x1: {  	(tag) =	ssettag $0x0;
	lr =	simm.s32 $0x1  }
0x2: {  	[smem:$0x3F9E] =	sst lr;
	_ =	strace $0xD0000000  }
0x3: {  	_ = 	snop  }
0x4: {  	_ = 	snop  }
0x5: {  	_ = 	snop  }
0x6: {  	_ = 	snop  }
0x7: {  	_ = 	snop  }
__scs_overlays_trampoline_lowered:
0x8: {  	[smem:$0x3FAD] =	sst s0  }
0x9: {  	[smem:$0x3FAE] =	sst s1  }
0xa: {  	[smem:$0x3FAF] =	sst s2  }
0xb: {  	[smem:$0x3FB0] =	sst s3  }
0xc: {  	[smem:$0x3FB1] =	sst s4  }
0xd: {  	[smem:$0x3FB2] =	sst s5  }
0xe: {  	[smem:$0x3FB3] =	sst s6  }
0xf: {  	[smem:$0x3FB4] =	sst s7  }
0x10: {  	[smem:$0x3FB5] =	sst s8  }
0x11: {  	[smem:$0x3FB6] =	sst s9;
	s0 =	simm.s32 @!p0 $0x0  }
0x12: {  	s1 =	sld [smem:$0x3F9C];
	s0 =	simm.s32 @p0 $0x1  }
0x13: {  	[smem:$0x3FB7] =	sst s0;
	s0 =	simm.s32 @!p1 $0x0  }
0x14: {  	s2 =	sld [smem:$0x3F9B];
	s0 =	simm.s32 @p1 $0x1  }
0x15: {  	[smem:$0x3FB8] =	sst s0;
	s0 =	simm.s32 @!p2 $0x0  }
0x16: {  	s3 =	sld [smem:$0x3FDB];
	s0 =	simm.s32 @p2 $0x1  }
0x17: {  	s4 =	simm.s32 $0x1BF5;
	[smem:$0x3FBA] =	sst s0  }
0x18: {  	s0 =	sld [smem:$0x3F9D];
	_ =	swait.ge [sflag:s4], $0x0  }
0x19: {  	s7 =	sld [smem:$0x3F9E]  }
0x1a: {  	s8 =	sadd.s32 $0xFFFFE003, lr  }
0x1b: {  	s9 =	sadd.s32 $0xFFFFFEF7, lr;
	s5 =	simm.s32 $0xFFFFFFFF;
	p2 =	slt.u32 s8, $0xFFFFF086  }
0x1c: {  	p1 =	slt.u32 s9, $0xF7A;
	s5 =	simm.s32 @!p2 $0x0  }
0x1d: {  	s5 =	simm.s32 @p1 $0x1;
	p0 =	seq.s32 s7, s2  }
0x1e: {  	s7 =	smul.u32 @!p0 $0xF7A, s2;
	p2 =	seq.s32 @!p0 s5, $0x0  }
0x1f: {  	s9 =	smul.u32 $0xF7A, s1;
	s8 =	simm.s32 @!p0 $0x1BF5;
	p2 =	por !p2, p0  }
0x20: {  	[sflag:s8] =	ssyncset.s32 @!p0 $0xFFFFF086;
	s6 =	sadd.s32 @!p0 s3, s7;
	s7 =	simm.s32 @!p0 $0x108  }
0x21: {  	s3 =	sadd.s32 s3, s9;
	s6 =	sadd.s32 @!p0 $0x88, s6;
	s7 =	simm.s32 @p2 $0x1082  }
0x22: {  	[simem:s7], [sflag:s8] =	dma.local @!p0 [hbm:s6], $0xF7A  }
0x23: {  	s9 =	sor.u32 $0xD0000000, s2;
	s6 =	simm.s32 $0x108;
	_ =	swait.ge @!p0 [sflag:s8], $0x0  }
0x24: {  	s3 =	sadd.s32 $0x88, s3;
	s6 =	simm.s32 @!p1 $0x1082;
	[sflag:s4] =	ssyncset.s32 $0xFFFFF086  }
0x25: {  	[simem:s6], [sflag:s4] =	dma.local [hbm:s3], $0xF7A  }
0x26: {  	[smem:$0x3F9E] =	sst s1;
	(tag) =	ssettag s2;
	_ =	strace s9  }
0x27: {  	s1 =	sld [smem:$0x3FAE]  }
0x28: {  	s2 =	sld [smem:$0x3FAF]  }
0x29: {  	s4 =	sld [smem:$0x3FB1]  }
0x2a: {  	p0 =	seq.s32 s5, $0x0;
	s5 =	sld [smem:$0x3FB2]  }
0x2b: {  	s6 =	sld [smem:$0x3FB3]  }
0x2c: {  	s7 =	sld [smem:$0x3FB4]  }
0x2d: {  	s3 =	simm.s32 $0x108;
	s8 =	sld [smem:$0x3FB5]  }
0x2e: {  	s3 =	simm.s32 @!p0 $0x1082;
	s9 =	sld [smem:$0x3FB6]  }
0x2f: {  	lr =	sadd.s32 s0, s3;
	s0 =	sld [smem:$0x3FAD]  }
0x30: {  	s3 =	sld [smem:$0x3FB0]  }
0x31: {  	[smem:$0x3FB9] =	sst s10  }
0x32: {  	s10 =	sld [smem:$0x3FB7];
	_ =	sdelay $0x3  }
0x33: {  	p0 =	seq.s32 s10, $0x1;
	s10 =	sld [smem:$0x3FB9];
	_ =	sdelay $0x3  }
0x34: {  	[smem:$0x3FB9] =	sst s10  }
0x35: {  	s10 =	sld [smem:$0x3FB8];
	_ =	sdelay $0x3  }
0x36: {  	p1 =	seq.s32 s10, $0x1;
	s10 =	sld [smem:$0x3FB9];
	_ =	sdelay $0x3  }
0x37: {  	[smem:$0x3FB9] =	sst s10  }
0x38: {  	s10 =	sld [smem:$0x3FBA]  }
0x39: {  	_ = 	snop;
	(pc) =	sbr.ind lr, $3  }
0x3a: {  	_ = 	snop  }
0x3b: {  	_ = 	snop  }
0x3c: {  	p2 =	seq.s32 s10, $0x1;
	s10 =	sld [smem:$0x3FB9]  }
0x3d: {  	_ =	shalt  }
0x3e: {  	_ =	shalt  }
0x3f: {  	_ =	shalt  }
0x40: {  	_ =	shalt  }
0x41: {  	_ =	shalt  }
0x42: {  	_ =	shalt  }
0x43: {  	_ =	shalt  }
0x44: {  	_ =	shalt  }
0x45: {  	_ =	shalt  }
0x46: {  	_ =	shalt  }
0x47: {  	_ =	shalt  }
0x48: {  	_ =	shalt  }
0x49: {  	_ =	shalt  }
0x4a: {  	_ =	shalt  }
0x4b: {  	_ =	shalt  }
0x4c: {  	_ =	shalt  }
0x4d: {  	_ =	shalt  }
0x4e: {  	_ =	shalt  }
0x4f: {  	_ =	shalt  }
0x50: {  	_ =	shalt  }
0x51: {  	_ =	shalt  }
0x52: {  	_ =	shalt  }
0x53: {  	_ =	shalt  }
0x54: {  	_ =	shalt  }
0x55: {  	_ =	shalt  }
0x56: {  	_ =	shalt  }
0x57: {  	_ =	shalt  }
0x58: {  	_ =	shalt  }
0x59: {  	_ =	shalt  }
0x5a: {  	_ =	shalt  }
0x5b: {  	_ =	shalt  }
0x5c: {  	_ =	shalt  }
0x5d: {  	_ =	shalt  }
0x5e: {  	_ =	shalt  }
0x5f: {  	_ =	shalt  }
0x60: {  	_ =	shalt  }
0x61: {  	_ =	shalt  }
0x62: {  	_ =	shalt  }
0x63: {  	_ =	shalt  }
0x64: {  	_ =	shalt  }
0x65: {  	_ =	shalt  }
0x66: {  	_ =	shalt  }
0x67: {  	_ =	shalt  }
0x68: {  	_ =	shalt  }
0x69: {  	_ =	shalt  }
0x6a: {  	_ =	shalt  }
0x6b: {  	_ =	shalt  }
0x6c: {  	_ =	shalt  }
0x6d: {  	_ =	shalt  }
0x6e: {  	_ =	shalt  }
0x6f: {  	_ =	shalt  }
0x70: {  	_ =	shalt  }
0x71: {  	_ =	shalt  }
0x72: {  	_ =	shalt  }
0x73: {  	_ =	shalt  }
0x74: {  	_ =	shalt  }
0x75: {  	_ =	shalt  }
0x76: {  	_ =	shalt  }
0x77: {  	_ =	shalt  }
0x78: {  	_ =	shalt  }
0x79: {  	_ =	shalt  }
0x7a: {  	_ =	shalt  }
0x7b: {  	_ =	shalt  }
0x7c: {  	_ =	shalt  }
0x7d: {  	_ =	shalt  }
0x7e: {  	_ =	shalt  }
0x7f: {  	_ =	shalt  }
0x80: {  	_ =	shalt  }
0x81: {  	_ =	shalt  }
0x82: {  	_ =	shalt  }
0x83: {  	_ =	shalt  }
0x84: {  	_ =	shalt  }
0x85: {  	_ =	shalt  }
0x86: {  	_ =	shalt  }
0x87: {  	_ =	shalt  }
.Lfunc_end0:
.L_simem_size_0:
called_computation_lowered:
.L_overlay_start_0:
0x88: {  	s2 =	sld [smem:$0x3FD9]  }
0x89: {  	s3 =	sld [smem:$0x3FFE];
	_ =	sdelay $0x1  }
0x8a: {  	s1 =	srdreg.scid  }
0x8b: {  	s0 =	sand.u32 $0x1, s1  }
0x8c: {  	s17 =	sshll.u32 s0, $0xA;
	s2 =	sadd.s32 s3, s2  }
0x8d: {  	s2 =	sadd.s32 s2, s17  }
0x8e: {  	[smem:$0x3FC5] =	sst s2  }
0x8f: {  	_ = 	snop  }
0x90: {  	s2 =	sld [smem:$0x3FC8]  }
0x91: {  	s18 =	sld [smem:$0x3FC7];
	(tm) =	ssettm $0x1  }
0x92: {  	s4 =	sld [smem:$0x3FFB];
	_ =	sdelay $0x3  }
0x93: {  	_ =	strace s4  }
0x94: {  	s4 =	sld [smem:$0x3FFC];
	_ =	sdelay $0x3  }
0x95: {  	_ =	strace s4  }
0x96: {  	s4 =	sld [smem:$0x3FFD];
	_ =	sdelay $0x3  }
0x97: {  	_ =	strace s4  }
0x98: {  	_ =	strace $0x8FFFFFFF  }
0x99: {  	s19 =	sld [smem:$0x3FDB];
	_ =	sdelay $0x1  }
0x9a: {  	s5 =	simm.s32 $_scs_section_size  }
0x9b: {  	s6 =	simm.s32 $_size__tile_overlayer_lowered;
	s7 =	simm.s32 $_tile_overlayer_lowered  }
0x9c: {  	s22 =	simm.s32 $0x1BFF;
	s21 =	sshll.u32 s7, $0x1;
	s4 =	sadd.s32 s5, s19  }
0x9d: {  	s8 =	simm.s32 $0x0;
	s20 =	sshll.u32 s6, $0x1;
	s6 =	sadd.s32 s21, s4  }
0x9e: {  	[timem:s8], [sflag:s22] =	dma.local [hbm:s6], s20  }
0x9f: {  	_ =	swait.ge [sflag:s22], s20  }
0xa0: {  	s5 =	ssub.s32 $0x0, s20;
	[sflag:s22] =	ssyncset.done $0x0  }
0xa1: {  	[sflag:s22] =	ssyncadd.s32 s5;
	_ =	sdelay $0x1  }
0xa2: {  	s23 =	simm.s32 $0x1B8B  }
0xa3: {  	_ =	swait.ge [sflag:s23], $0x1  }
0xa4: {  	[sflag:s23] =	ssyncset.done $0x0  }
0xa5: {  	s25 =	simm.s32 $0x1B8E;
	s24 =	sld [smem:$0x3FFE];
	[sflag:s23] =	ssyncadd.s32 $0xFFFFFFFF  }
0xa6: {  	s26 =	simm.s32 $execute0_lowered;
	[smem:$0x3FD2] =	sst s25  }
0xa7: {  	s6 =	sshll.u32 s26, $0x1;
	_ =	strace $0x80000046;
	[dreg:$0x1] =	wrdreg $0xFFFFFFFF  }
0xa8: {  	s28 =	simm.s32 $_size_execute0_lowered;
	s4 =	sadd.s32 s4, s6;
	[dreg:$0x0] =	wrdreg $0x0  }
0xa9: {  	s6 =	sshll.u32 s28, $0x1;
	[dreg:$0x2] =	wrdreg s4  }
0xaa: {  	[dreg:$0x3] =	wrdreg s6  }
0xab: {  	[dreg:$0x4] =	wrdreg $0xC0  }
0xac: {  	_ =	task [dreg:s8], $0x5FFFF  }
0xad: {  	[dreg:$0x1] =	wrdreg $0xFFFFFFFF  }
0xae: {  	[dreg:$0x0] =	wrdreg $0x60  }
0xaf: {  	[dreg:$0x2] =	wrdreg s2  }
0xb0: {  	[dreg:$0x3] =	wrdreg s18  }
0xb1: {  	[dreg:$0x4] =	wrdreg s24  }
0xb2: {  	[dreg:$0x5] =	wrdreg $0x9  }
0xb3: {  	_ =	task.clear_ibuf [dreg:s8], $0x6FFFF;
	_ =	strace $0x90000046  }
0xb4: {  	s29 =	simm.s32 $0x9;
	_ =	strace $0x80000048  }
0xb5: {  	_ =	swait.ge [sflag:s29], $0x1  }
0xb6: {  	[sflag:s29] =	ssyncadd.s32 $0xFFFFFFFF  }
0xb7: {  	_ =	strace $0x90000048  }
0xb8: {  	_ =	sfence  }
0xb9: {  	s30 =	sld [smem:$0x0];
	_ =	sdelay $0x2  }
0xba: {  	s31 =	sshll.u32 s1, $0xD;
	s1 =	sshrl.u32 s1, $0x2  }
0xbb: {  	s3 =	sand.u32 $0x4000, s31;
	s1 =	sadd.s32 s1, s30  }
0xbc: {  	s0 =	sor.u32 s3, s0;
	s1 =	sshll.u32 s1, $0x11  }
0xbd: {  	s0 =	sor.u32 s1, s0  }
0xbe: {  	s0 =	sadd.s32 $0x8F2B, s0  }
0xbf: {  	[sflag:s0] =	ssyncadd.remote.s32 $0x1  }
0xc0: {  	_ =	sfence.sel $0xFFFF  }
0xc1: {  	[dreg:$0x0] =	wrdreg $0xFFFFFFFF;
	(pc) =	sbr.abs _section_cstart, $3  }
0xc2: {  	[dreg:$0x1] =	wrdreg $0xFFFFFFFF  }
0xc3: {  	_ =	task.clear_ibuf [dreg:s8], $0x2FFFF;
	_ =	strace $0x9FFFFFFF  }
0xc4: {  	(tm) =	ssettm $0x7FFFFFFF  }
0xc5: {  	_ =	shalt  }
tec
execute0_lowered:
.L_overlay_start_1:
0x0: {  	(tag) =	ssettag $0x1  }
0x1: {  	s4 =	rddreg [dreg:$0x0]  }
0x2: {  	s2 =	rddreg [dreg:$0x1]  }
0x3: {  	s9 =	rddreg [dreg:$0x2]  }
0x4: {  	s3 =	srdreg.scid;
	s0 =	rddreg [dreg:$0x3]  }
0x5: {  	s1 =	stileid.u32;
	s8 =	simm.s32 $0x1;
	s6 =	sand.u32 $0x1, s3  }
0x6: {  	s3 =	simm.s32 $0x0;
	s5 =	sshll.u32 s1, $0x3;
	s7 =	sshll.u32 s6, $0x2  }
0x7: {  	[smem:$0x7FF] =	sst s3;
	s11 =	ssub.s32 $0x2, s6;
	s10 =	sor.u32 s7, s5  }
0x8: {  	_ =	strace $0x80000047;
	s5 =	sadd.s32 s4, s10;
	s4 =	simm.s32 $0x2  }
0x9: {  	[tilespmem:s3], [sflag:$0x2] =	stream.linear.gather [hbm4b:s5+s3], $0x20, $0x38;
	[tilespmem:$0x100] =	vst v63  }
0xa: {  	s6 =	simm.s32 $0x20;
	s12 =	sshrl.u32 s11, $0x1;
	_ =	swait.ge [sflag:s4], $0x20  }
0xb: {  	s7 =	simm.s32 $0x80;
	s31 =	ssub.s32 s11, s12;
	[sflag:s4] =	ssyncset.done $0x0  }
0xc: {  	s9 =	sadd.s32 s10, s9;
	s10 =	smax.u32 s31, $0x1;
	[sflag:s4] =	ssyncadd.s32 $0xFFFFFFE0  }
0xd: {  	[tilespmem:s7], [sflag:$0x1] =	stream.indirect.gather [hbm4b:s2+s6], $0x1, s3, s6, $0xb8;
	[tilespmem:$0x100] =	vst v63  }
0xe: {  	p0 =	sne.s32 s10, $0x1;
	_ =	swait.ge [sflag:s8], $0x20  }
.Ltmp0:
0xf: {  	[sflag:s8] =	ssyncset.done $0x0;
	(pc) =	sbr.rel @!p0 .LBB2_2-.Ltmp0, $4  }
0x10: {  	s9 =	sadd.s32 $0x800, s9;
	[sflag:s8] =	ssyncadd.s32 $0xFFFFFFE0  }
0x11: {  	[hbm4b:s9+s3] =	stream.linear.scatter [tilespmem:s7], [sflag:$0x2], $0x20, $0x38;
	[tilespmem:$0x100] =	vst v63  }
0x12: {  	_ =	swait.ge [sflag:s4], $0x20  }
0x13: {  	s10 =	sadd.s32 $0xFFFFFFFF, s10;
	[sflag:s4] =	ssyncset.done $0x0  }
.LBB2_1:
0x14: {  	p0 =	sne.s32 s10, $0x1;
	s10 =	sadd.s32 $0xFFFFFFFF, s10;
	[sflag:s4] =	ssyncadd.s32 $0xFFFFFFE0  }
0x15: {  	[tilespmem:s3], [sflag:$0x2] =	stream.linear.gather [hbm4b:s5+s3], $0x20, $0x38;
	[tilespmem:$0x100] =	vst v63  }
0x16: {  	_ =	swait.ge [sflag:s4], $0x20  }
0x17: {  	[sflag:s4] =	ssyncset.done $0x0  }
0x18: {  	[sflag:s4] =	ssyncadd.s32 $0xFFFFFFE0  }
0x19: {  	[tilespmem:s7], [sflag:$0x1] =	stream.indirect.gather [hbm4b:s2+s6], $0x1, s3, s6, $0xb8;
	[tilespmem:$0x100] =	vst v63  }
0x1a: {  	_ =	swait.ge [sflag:s8], $0x20  }
.Ltmp1:
0x1b: {  	[sflag:s8] =	ssyncset.done $0x0;
	(pc) =	sbr.rel @p0 .LBB2_1-.Ltmp1, $4  }
0x1c: {  	[sflag:s8] =	ssyncadd.s32 $0xFFFFFFE0  }
0x1d: {  	[hbm4b:s9+s3] =	stream.linear.scatter [tilespmem:s7], [sflag:$0x2], $0x20, $0x38;
	[tilespmem:$0x100] =	vst v63  }
0x1e: {  	_ =	swait.ge [sflag:s4], $0x20  }
0x1f: {  	[sflag:s4] =	ssyncset.done $0x0  }
.LBB2_2:
0x20: {  	[sflag:s4] =	ssyncadd.s32 $0xFFFFFFE0  }
0x21: {  	_ =	sfence.sel $0x180000  }
0x22: {  	[bflag:$0x0] =	sbarrier.arrive $0xFFFF  }
0x23: {  	p0 =	sne.s32 s1, $0x0;
	_ =	strace $0x90000047  }
0x24: {  	s0 =	sadd.s32 @!p0 $0x100000, s0;
	[bflag:$0x2] =	sbarrier.arrive $0xFFFF  }
0x25: {  	[sflag:s0] =	ssyncadd.tile.s32 @!p0 $0x1;
	_ =	shalt  }
.Lfunc_end2:
_tile_overlayer_lowered:
.L_overlay_start_2:
0x26: {  	(tag) =	ssettag $0x2  }
0x27: {  	s0 =	rddreg [dreg:$0x0];
	s2 =	stileid.u32  }
0x28: {  	s1 =	rddreg [dreg:$0x1];
	p0 =	sne.s32 s2, $0x0  }
0x29: {  	s3 =	rddreg [dreg:$0x2];
	[bflag:$0x3] =	sbarrier.arrive $0xFFFF;
	s2 =	simm.s32 @!p0 $0x1C02  }
0x2a: {  	[timem:s3], [sflag:s2] =	dma.local @!p0 [hbm:s0], s1  }
0x2b: {  	s0 =	simm.s32 @!p0 $0x2  }
0x2c: {  	_ =	swait.ge @!p0 [sflag:s0], s1  }
0x2d: {  	s1 =	ssub.s32 @!p0 $0x0, s1;
	[sflag:s0] =	ssyncset.done @!p0 $0x0  }
0x2e: {  	[sflag:s0] =	ssyncadd.s32 @!p0 s1  }
0x2f: {  	[bflag:$0x3] =	sbarrier.arrive $0xFFFF  }
0x30: {  	_ =	shalt  }

</sc_bundles>
